<compile_context>
chip_gen: v7x
topology: tpu7x:2x2x1
jax: 0.10.2.dev20260603
libtpu: 0.0.44.dev20260713+nightly
codegen_flags: <defaults>
</compile_context>

<pallas_src>
import functools

import jax
import jax.numpy as jnp
from jax import lax
from jax.experimental import pallas as pl
from jax.experimental.pallas import tpu as pltpu
from jax.experimental.pallas import tpu_sc as plsc

_BATCH = 16384
_WIDTH = 64
_LANES = 128


def _build_gather():
    info = plsc.get_sparse_core_info()
    nc, ns, nl = info.num_cores, info.num_subcores, info.num_lanes
    nw = nc * ns
    bpw = _BATCH // nw
    nb = 4
    nrounds = bpw // nb

    mesh = plsc.VectorSubcoreMesh(core_axis_name="c", subcore_axis_name="s")

    @functools.partial(
        pl.kernel,
        mesh=mesh,
        out_type=jax.ShapeDtypeStruct((_BATCH, _WIDTH), jnp.float32),
        scratch_types=[
            pltpu.VMEM((bpw,), jnp.int32),
            [pltpu.VMEM((_WIDTH, _LANES), jnp.float32)] * nb,
            pltpu.VMEM((bpw, _WIDTH), jnp.float32),
            [pltpu.SemaphoreType.DMA] * nb,
        ],
        compiler_params=pltpu.CompilerParams(needs_layout_passes=False),
    )
    def gather_kernel(idx_hbm, tableT_hbm, out_hbm, idx_v, slabs, rows_v, sems):
        wid = lax.axis_index("s") * nc + lax.axis_index("c")
        base = wid * bpw
        pltpu.sync_copy(idx_hbm.at[pl.ds(base, bpw)], idx_v)

        cvecs = [lax.iota(jnp.int32, nl) + cc * nl
                 for cc in range(_WIDTH // nl)]

        def fetch(k, b):
            yv = plsc.load_gather(idx_v, [jnp.full((nl,), k, jnp.int32)])
            t = lax.shift_right_logical(yv[0], 7) * _LANES
            pltpu.async_copy(
                tableT_hbm.at[:, pl.ds(t, _LANES)], slabs[b], sems[b])

        for b in range(nb):
            fetch(b, b)

        def round_(r, carry):
            for b in range(nb):
                k = r * nb + b
                pltpu.make_async_copy(
                    tableT_hbm.at[:, pl.ds(0, _LANES)], slabs[b],
                    sems[b]).wait()
                yv = plsc.load_gather(idx_v, [jnp.full((nl,), k, jnp.int32)])
                lane = jnp.full((nl,), yv[0] & (_LANES - 1), jnp.int32)
                kvec = jnp.full((nl,), k, jnp.int32)
                for cc in range(_WIDTH // nl):
                    vals = plsc.load_gather(slabs[b], [cvecs[cc], lane])
                    plsc.store_scatter(rows_v, [kvec, cvecs[cc]], vals)

                @pl.when(r < nrounds - 1)
                def _():
                    fetch(k + nb, b)

            return carry

        lax.fori_loop(0, nrounds, round_, 0)

        pltpu.sync_copy(rows_v, out_hbm.at[pl.ds(base, bpw)])

    return gather_kernel


_gather = _build_gather()


def kernel(y, genre_emb):
    out = _gather(y.astype(jnp.int32), genre_emb.T)
    return out[:, None, :]

# --- scband reference (transcript-rebuilt; emitter-appended) ---
"""Pipeline reference for scband-label-conditioner-7215545057779 (READ-ONLY COPY).

The authoritative reference and input builder live on the scoring server;
editing this copy changes nothing except your own understanding.
"""

import jax, jax.numpy as jnp
import numpy as np

GENRE_BINS = 1000000
WIDTH = 64
BATCH = 16384

def setup_inputs(seed: int = 0) -> dict:
    key = jax.random.key(seed)
    k1, k2 = jax.random.split(key)
    y = jax.random.randint(k1, (BATCH,), 0, GENRE_BINS)
    # learned embedding table, keras Embedding default init ~ uniform(-0.05, 0.05)
    genre_emb = jax.random.uniform(k2, (GENRE_BINS, WIDTH), dtype=jnp.float32, minval=-0.05, maxval=0.05)
    return {"y": y, "genre_emb": genre_emb}

def reference(y, genre_emb):
    # out = Embedding(y) -> (N, width)
    out = jnp.take(genre_emb, y, axis=0)
    # out = out[:, tf.newaxis, :] -> (N, 1, width)
    out = out[:, None, :]
    return out

if __name__ == "__main__":
    import jax
    _d = setup_inputs()
    print(jax.jit(kernel)(*tuple(_d.values())))

</pallas_src>

<mosaic_0001>
#map = affine_map<(d0, d1) -> (0)>
#map1 = affine_map<(d0, d1) -> (0, 0)>
module attributes {stable_mosaic.version = 14 : i64} {
  func.func @gather_kernel(%arg0: i32, %arg1: i32, %arg2: memref<16384xi32, #tpu.memory_space<hbm>>, %arg3: memref<64x1000000xf32, #tpu.memory_space<hbm>>, %arg4: memref<16384x64xf32, #tpu.memory_space<hbm>>, %arg5: memref<512xi32, #tpu.memory_space<vmem>>, %arg6: memref<64x128xf32, #tpu.memory_space<vmem>>, %arg7: memref<64x128xf32, #tpu.memory_space<vmem>>, %arg8: memref<64x128xf32, #tpu.memory_space<vmem>>, %arg9: memref<64x128xf32, #tpu.memory_space<vmem>>, %arg10: memref<512x64xf32, #tpu.memory_space<vmem>>, %arg11: memref<!tpu.dma_semaphore, #tpu.memory_space<semaphore_mem>>, %arg12: memref<!tpu.dma_semaphore, #tpu.memory_space<semaphore_mem>>, %arg13: memref<!tpu.dma_semaphore, #tpu.memory_space<semaphore_mem>>, %arg14: memref<!tpu.dma_semaphore, #tpu.memory_space<semaphore_mem>>) attributes {dimension_semantics = [#tpu.dimension_semantics<core_parallel>, #tpu.dimension_semantics<subcore_parallel>], iteration_bounds = array<i64: 2, 16>, scalar_prefetch = 0 : i64, scratch_operands = 10 : i64, tpu.core_type = #tpu.core_type<sc_vector_subcore>, window_params = [{transform_indices = #map}, {transform_indices = #map1}, {transform_indices = #map1}]} {
    %mul3A = arith.constant 2 : i32
    %mul3A_0 = arith.muli %arg1, %mul3A : i32
    %add3A = arith.addi %mul3A_0, %arg0 : i32
    %mul3A_1 = arith.constant 512 : i32
    %mul3A_2 = arith.muli %add3A, %mul3A_1 : i32
    "tpu.region"() ({
      %run_scoped3A = tpu.sem_alloc : memref<!tpu.dma_semaphore, #tpu.memory_space<semaphore_mem>>
      %dma_start3A_69 = tpu.memref_slice %arg2[%mul3A_2] : memref<16384xi32, #tpu.memory_space<hbm>> -> memref<512xi32, #tpu.memory_space<hbm>>
      %dma_start3A_70 = tpu.memref_slice %arg2[%mul3A_2] : memref<16384xi32, #tpu.memory_space<hbm>> -> memref<512xi32, #tpu.memory_space<hbm>>
      tpu.enqueue_dma source(%dma_start3A_70 : memref<512xi32, #tpu.memory_space<hbm>>) target(%arg5 : memref<512xi32, #tpu.memory_space<vmem>>) target_semaphore(%run_scoped3A : memref<!tpu.dma_semaphore, #tpu.memory_space<semaphore_mem>>)
      %dma_wait3A = tpu.memref_slice %arg2[%mul3A_2] : memref<16384xi32, #tpu.memory_space<hbm>> -> memref<512xi32, #tpu.memory_space<hbm>>
      %dma_wait3A_71 = tpu.memref_slice %arg2[%mul3A_2] : memref<16384xi32, #tpu.memory_space<hbm>> -> memref<512xi32, #tpu.memory_space<hbm>>
      tpu.wait_dma2 semaphore(%run_scoped3A : memref<!tpu.dma_semaphore, #tpu.memory_space<semaphore_mem>>) src(%dma_wait3A_71 : memref<512xi32, #tpu.memory_space<hbm>>) dst(%arg5 : memref<512xi32, #tpu.memory_space<vmem>>)
      tpu.yield
    }) : () -> ()
    %iota3A = tpu.iota {dimensions = array<i32: 0>} : vector<16xi32>
    %add3A_3 = arith.constant 0 : i32
    %add3A_4 = vector.broadcast %add3A_3 : i32 to vector<16xi32>
    %add3A_5 = arith.addi %iota3A, %add3A_4 : vector<16xi32>
    %iota3A_6 = tpu.iota {dimensions = array<i32: 0>} : vector<16xi32>
    %add3A_7 = arith.constant 16 : i32
    %add3A_8 = vector.broadcast %add3A_7 : i32 to vector<16xi32>
    %add3A_9 = arith.addi %iota3A_6, %add3A_8 : vector<16xi32>
    %iota3A_10 = tpu.iota {dimensions = array<i32: 0>} : vector<16xi32>
    %add3A_11 = arith.constant 32 : i32
    %add3A_12 = vector.broadcast %add3A_11 : i32 to vector<16xi32>
    %add3A_13 = arith.addi %iota3A_10, %add3A_12 : vector<16xi32>
    %iota3A_14 = tpu.iota {dimensions = array<i32: 0>} : vector<16xi32>
    %add3A_15 = arith.constant 48 : i32
    %add3A_16 = vector.broadcast %add3A_15 : i32 to vector<16xi32>
    %add3A_17 = arith.addi %iota3A_14, %add3A_16 : vector<16xi32>
    %broadcast_in_dim3A = arith.constant 0 : i32
    %broadcast_in_dim3A_18 = vector.broadcast %broadcast_in_dim3A : i32 to vector<16xi32>
    %gather3A = tpu.vector_load_idx %arg5[%broadcast_in_dim3A_18] : memref<512xi32, #tpu.memory_space<vmem>>[vector<16xi32>], vector<16xi32>,
    %slice3A = vector.extract_strided_slice %gather3A {offsets = [0], sizes = [1], strides = [1]} : vector<16xi32> to vector<1xi32>
    %squeeze3A = vector.extract %slice3A[0] : i32 from vector<1xi32>
    %shift_right_logical3A = arith.constant 7 : i32
    %shift_right_logical3A_19 = arith.shrui %squeeze3A, %shift_right_logical3A : i32
    %mul3A_20 = arith.constant 128 : i32
    %mul3A_21 = arith.muli %shift_right_logical3A_19, %mul3A_20 : i32
    %dma_start3A = arith.constant 0 : i32
    %dma_start3A_22 = tpu.memref_slice %arg3[%dma_start3A, %mul3A_21] : memref<64x1000000xf32, #tpu.memory_space<hbm>> -> memref<64x128xf32, #tpu.memory_space<hbm>>
    %dma_start3A_23 = arith.constant 0 : i32
    %dma_start3A_24 = tpu.memref_slice %arg3[%dma_start3A_23, %mul3A_21] : memref<64x1000000xf32, #tpu.memory_space<hbm>> -> memref<64x128xf32, #tpu.memory_space<hbm>>
    tpu.enqueue_dma source(%dma_start3A_24 : memref<64x128xf32, #tpu.memory_space<hbm>>) target(%arg6 : memref<64x128xf32, #tpu.memory_space<vmem>>) target_semaphore(%arg11 : memref<!tpu.dma_semaphore, #tpu.memory_space<semaphore_mem>>)
    %broadcast_in_dim3A_25 = arith.constant 1 : i32
    %broadcast_in_dim3A_26 = vector.broadcast %broadcast_in_dim3A_25 : i32 to vector<16xi32>
    %gather3A_27 = tpu.vector_load_idx %arg5[%broadcast_in_dim3A_26] : memref<512xi32, #tpu.memory_space<vmem>>[vector<16xi32>], vector<16xi32>,
    %slice3A_28 = vector.extract_strided_slice %gather3A_27 {offsets = [0], sizes = [1], strides = [1]} : vector<16xi32> to vector<1xi32>
    %squeeze3A_29 = vector.extract %slice3A_28[0] : i32 from vector<1xi32>
    %shift_right_logical3A_30 = arith.constant 7 : i32
    %shift_right_logical3A_31 = arith.shrui %squeeze3A_29, %shift_right_logical3A_30 : i32
    %mul3A_32 = arith.constant 128 : i32
    %mul3A_33 = arith.muli %shift_right_logical3A_31, %mul3A_32 : i32
    %dma_start3A_34 = arith.constant 0 : i32
    %dma_start3A_35 = tpu.memref_slice %arg3[%dma_start3A_34, %mul3A_33] : memref<64x1000000xf32, #tpu.memory_space<hbm>> -> memref<64x128xf32, #tpu.memory_space<hbm>>
    %dma_start3A_36 = arith.constant 0 : i32
    %dma_start3A_37 = tpu.memref_slice %arg3[%dma_start3A_36, %mul3A_33] : memref<64x1000000xf32, #tpu.memory_space<hbm>> -> memref<64x128xf32, #tpu.memory_space<hbm>>
    tpu.enqueue_dma source(%dma_start3A_37 : memref<64x128xf32, #tpu.memory_space<hbm>>) target(%arg7 : memref<64x128xf32, #tpu.memory_space<vmem>>) target_semaphore(%arg12 : memref<!tpu.dma_semaphore, #tpu.memory_space<semaphore_mem>>)
    %broadcast_in_dim3A_38 = arith.constant 2 : i32
    %broadcast_in_dim3A_39 = vector.broadcast %broadcast_in_dim3A_38 : i32 to vector<16xi32>
    %gather3A_40 = tpu.vector_load_idx %arg5[%broadcast_in_dim3A_39] : memref<512xi32, #tpu.memory_space<vmem>>[vector<16xi32>], vector<16xi32>,
    %slice3A_41 = vector.extract_strided_slice %gather3A_40 {offsets = [0], sizes = [1], strides = [1]} : vector<16xi32> to vector<1xi32>
    %squeeze3A_42 = vector.extract %slice3A_41[0] : i32 from vector<1xi32>
    %shift_right_logical3A_43 = arith.constant 7 : i32
    %shift_right_logical3A_44 = arith.shrui %squeeze3A_42, %shift_right_logical3A_43 : i32
    %mul3A_45 = arith.constant 128 : i32
    %mul3A_46 = arith.muli %shift_right_logical3A_44, %mul3A_45 : i32
    %dma_start3A_47 = arith.constant 0 : i32
    %dma_start3A_48 = tpu.memref_slice %arg3[%dma_start3A_47, %mul3A_46] : memref<64x1000000xf32, #tpu.memory_space<hbm>> -> memref<64x128xf32, #tpu.memory_space<hbm>>
    %dma_start3A_49 = arith.constant 0 : i32
    %dma_start3A_50 = tpu.memref_slice %arg3[%dma_start3A_49, %mul3A_46] : memref<64x1000000xf32, #tpu.memory_space<hbm>> -> memref<64x128xf32, #tpu.memory_space<hbm>>
    tpu.enqueue_dma source(%dma_start3A_50 : memref<64x128xf32, #tpu.memory_space<hbm>>) target(%arg8 : memref<64x128xf32, #tpu.memory_space<vmem>>) target_semaphore(%arg13 : memref<!tpu.dma_semaphore, #tpu.memory_space<semaphore_mem>>)
    %broadcast_in_dim3A_51 = arith.constant 3 : i32
    %broadcast_in_dim3A_52 = vector.broadcast %broadcast_in_dim3A_51 : i32 to vector<16xi32>
    %gather3A_53 = tpu.vector_load_idx %arg5[%broadcast_in_dim3A_52] : memref<512xi32, #tpu.memory_space<vmem>>[vector<16xi32>], vector<16xi32>,
    %slice3A_54 = vector.extract_strided_slice %gather3A_53 {offsets = [0], sizes = [1], strides = [1]} : vector<16xi32> to vector<1xi32>
    %squeeze3A_55 = vector.extract %slice3A_54[0] : i32 from vector<1xi32>
    %shift_right_logical3A_56 = arith.constant 7 : i32
    %shift_right_logical3A_57 = arith.shrui %squeeze3A_55, %shift_right_logical3A_56 : i32
    %mul3A_58 = arith.constant 128 : i32
    %mul3A_59 = arith.muli %shift_right_logical3A_57, %mul3A_58 : i32
    %dma_start3A_60 = arith.constant 0 : i32
    %dma_start3A_61 = tpu.memref_slice %arg3[%dma_start3A_60, %mul3A_59] : memref<64x1000000xf32, #tpu.memory_space<hbm>> -> memref<64x128xf32, #tpu.memory_space<hbm>>
    %dma_start3A_62 = arith.constant 0 : i32
    %dma_start3A_63 = tpu.memref_slice %arg3[%dma_start3A_62, %mul3A_59] : memref<64x1000000xf32, #tpu.memory_space<hbm>> -> memref<64x128xf32, #tpu.memory_space<hbm>>
    tpu.enqueue_dma source(%dma_start3A_63 : memref<64x128xf32, #tpu.memory_space<hbm>>) target(%arg9 : memref<64x128xf32, #tpu.memory_space<vmem>>) target_semaphore(%arg14 : memref<!tpu.dma_semaphore, #tpu.memory_space<semaphore_mem>>)
    %scan3A = arith.constant 0 : i32
    %scan3A_64 = arith.constant 0 : i32
    %scan3A_65 = arith.constant 128 : i32
    %scan3A_66 = arith.addi %scan3A_64, %scan3A_65 : i32
    %scan3A_67 = arith.constant 1 : i32
    scf.for %scan3A_69 = %scan3A_64 to %scan3A_66 step %scan3A_67  : i32 {
      %mul3A_70 = arith.constant 4 : i32
      %mul3A_71 = arith.muli %scan3A_69, %mul3A_70 : i32
      %add3A_72 = arith.constant 0 : i32
      %add3A_73 = arith.addi %mul3A_71, %add3A_72 : i32
      %dma_wait3A = arith.constant 0 : i32
      %dma_wait3A_74 = arith.constant 0 : i32
      %dma_wait3A_75 = tpu.memref_slice %arg3[%dma_wait3A, %dma_wait3A_74] : memref<64x1000000xf32, #tpu.memory_space<hbm>> -> memref<64x128xf32, #tpu.memory_space<hbm>>
      %dma_wait3A_76 = arith.constant 0 : i32
      %dma_wait3A_77 = arith.constant 0 : i32
      %dma_wait3A_78 = tpu.memref_slice %arg3[%dma_wait3A_76, %dma_wait3A_77] : memref<64x1000000xf32, #tpu.memory_space<hbm>> -> memref<64x128xf32, #tpu.memory_space<hbm>>
      tpu.wait_dma2 semaphore(%arg11 : memref<!tpu.dma_semaphore, #tpu.memory_space<semaphore_mem>>) src(%dma_wait3A_78 : memref<64x128xf32, #tpu.memory_space<hbm>>) dst(%arg6 : memref<64x128xf32, #tpu.memory_space<vmem>>)
      %broadcast_in_dim3A_79 = vector.broadcast %add3A_73 : i32 to vector<16xi32>
      %gather3A_80 = tpu.vector_load_idx %arg5[%broadcast_in_dim3A_79] : memref<512xi32, #tpu.memory_space<vmem>>[vector<16xi32>], vector<16xi32>,
      %slice3A_81 = vector.extract_strided_slice %gather3A_80 {offsets = [0], sizes = [1], strides = [1]} : vector<16xi32> to vector<1xi32>
      %squeeze3A_82 = vector.extract %slice3A_81[0] : i32 from vector<1xi32>
      %and3A = arith.constant 127 : i32
      %and3A_83 = arith.andi %squeeze3A_82, %and3A : i32
      %broadcast_in_dim3A_84 = vector.broadcast %and3A_83 : i32 to vector<16xi32>
      %broadcast_in_dim3A_85 = vector.broadcast %add3A_73 : i32 to vector<16xi32>
      %gather3A_86 = tpu.vector_load_idx %arg6[%add3A_5, %broadcast_in_dim3A_84] : memref<64x128xf32, #tpu.memory_space<vmem>>[vector<16xi32>, vector<16xi32>], vector<16xf32>,
      tpu.vector_store_idx %arg10[%broadcast_in_dim3A_85, %add3A_5], %gather3A_86 : memref<512x64xf32, #tpu.memory_space<vmem>>[vector<16xi32>, vector<16xi32>], vector<16xf32>,
      %gather3A_87 = tpu.vector_load_idx %arg6[%add3A_9, %broadcast_in_dim3A_84] : memref<64x128xf32, #tpu.memory_space<vmem>>[vector<16xi32>, vector<16xi32>], vector<16xf32>,
      tpu.vector_store_idx %arg10[%broadcast_in_dim3A_85, %add3A_9], %gather3A_87 : memref<512x64xf32, #tpu.memory_space<vmem>>[vector<16xi32>, vector<16xi32>], vector<16xf32>,
      %gather3A_88 = tpu.vector_load_idx %arg6[%add3A_13, %broadcast_in_dim3A_84] : memref<64x128xf32, #tpu.memory_space<vmem>>[vector<16xi32>, vector<16xi32>], vector<16xf32>,
      tpu.vector_store_idx %arg10[%broadcast_in_dim3A_85, %add3A_13], %gather3A_88 : memref<512x64xf32, #tpu.memory_space<vmem>>[vector<16xi32>, vector<16xi32>], vector<16xf32>,
      %gather3A_89 = tpu.vector_load_idx %arg6[%add3A_17, %broadcast_in_dim3A_84] : memref<64x128xf32, #tpu.memory_space<vmem>>[vector<16xi32>, vector<16xi32>], vector<16xf32>,
      tpu.vector_store_idx %arg10[%broadcast_in_dim3A_85, %add3A_17], %gather3A_89 : memref<512x64xf32, #tpu.memory_space<vmem>>[vector<16xi32>, vector<16xi32>], vector<16xf32>,
      %lt3A = arith.constant 127 : i32
      %lt3A_90 = arith.cmpi slt, %scan3A_69, %lt3A : i32
      %convert_element_type3A = arith.extui %lt3A_90 : i1 to i32
      %cond3A = arith.constant 0 : i32
      %cond3A_91 = arith.cmpi ne, %convert_element_type3A, %cond3A : i32
      scf.if %cond3A_91 {
        %add3A_173 = arith.constant 4 : i32
        %add3A_174 = arith.addi %add3A_73, %add3A_173 : i32
        %broadcast_in_dim3A_175 = vector.broadcast %add3A_174 : i32 to vector<16xi32>
        %gather3A_176 = tpu.vector_load_idx %arg5[%broadcast_in_dim3A_175] : memref<512xi32, #tpu.memory_space<vmem>>[vector<16xi32>], vector<16xi32>,
        %slice3A_177 = vector.extract_strided_slice %gather3A_176 {offsets = [0], sizes = [1], strides = [1]} : vector<16xi32> to vector<1xi32>
        %squeeze3A_178 = vector.extract %slice3A_177[0] : i32 from vector<1xi32>
        %shift_right_logical3A_179 = arith.constant 7 : i32
        %shift_right_logical3A_180 = arith.shrui %squeeze3A_178, %shift_right_logical3A_179 : i32
        %mul3A_181 = arith.constant 128 : i32
        %mul3A_182 = arith.muli %shift_right_logical3A_180, %mul3A_181 : i32
        %dma_start3A_183 = arith.constant 0 : i32
        %dma_start3A_184 = tpu.memref_slice %arg3[%dma_start3A_183, %mul3A_182] : memref<64x1000000xf32, #tpu.memory_space<hbm>> -> memref<64x128xf32, #tpu.memory_space<hbm>>
        %dma_start3A_185 = arith.constant 0 : i32
        %dma_start3A_186 = tpu.memref_slice %arg3[%dma_start3A_185, %mul3A_182] : memref<64x1000000xf32, #tpu.memory_space<hbm>> -> memref<64x128xf32, #tpu.memory_space<hbm>>
        tpu.enqueue_dma source(%dma_start3A_186 : memref<64x128xf32, #tpu.memory_space<hbm>>) target(%arg6 : memref<64x128xf32, #tpu.memory_space<vmem>>) target_semaphore(%arg11 : memref<!tpu.dma_semaphore, #tpu.memory_space<semaphore_mem>>)
      } else {
      }
      %mul3A_92 = arith.constant 4 : i32
      %mul3A_93 = arith.muli %scan3A_69, %mul3A_92 : i32
      %add3A_94 = arith.constant 1 : i32
      %add3A_95 = arith.addi %mul3A_93, %add3A_94 : i32
      %dma_wait3A_96 = arith.constant 0 : i32
      %dma_wait3A_97 = arith.constant 0 : i32
      %dma_wait3A_98 = tpu.memref_slice %arg3[%dma_wait3A_96, %dma_wait3A_97] : memref<64x1000000xf32, #tpu.memory_space<hbm>> -> memref<64x128xf32, #tpu.memory_space<hbm>>
      %dma_wait3A_99 = arith.constant 0 : i32
      %dma_wait3A_100 = arith.constant 0 : i32
      %dma_wait3A_101 = tpu.memref_slice %arg3[%dma_wait3A_99, %dma_wait3A_100] : memref<64x1000000xf32, #tpu.memory_space<hbm>> -> memref<64x128xf32, #tpu.memory_space<hbm>>
      tpu.wait_dma2 semaphore(%arg12 : memref<!tpu.dma_semaphore, #tpu.memory_space<semaphore_mem>>) src(%dma_wait3A_101 : memref<64x128xf32, #tpu.memory_space<hbm>>) dst(%arg7 : memref<64x128xf32, #tpu.memory_space<vmem>>)
      %broadcast_in_dim3A_102 = vector.broadcast %add3A_95 : i32 to vector<16xi32>
      %gather3A_103 = tpu.vector_load_idx %arg5[%broadcast_in_dim3A_102] : memref<512xi32, #tpu.memory_space<vmem>>[vector<16xi32>], vector<16xi32>,
      %slice3A_104 = vector.extract_strided_slice %gather3A_103 {offsets = [0], sizes = [1], strides = [1]} : vector<16xi32> to vector<1xi32>
      %squeeze3A_105 = vector.extract %slice3A_104[0] : i32 from vector<1xi32>
      %and3A_106 = arith.constant 127 : i32
      %and3A_107 = arith.andi %squeeze3A_105, %and3A_106 : i32
      %broadcast_in_dim3A_108 = vector.broadcast %and3A_107 : i32 to vector<16xi32>
      %broadcast_in_dim3A_109 = vector.broadcast %add3A_95 : i32 to vector<16xi32>
      %gather3A_110 = tpu.vector_load_idx %arg7[%add3A_5, %broadcast_in_dim3A_108] : memref<64x128xf32, #tpu.memory_space<vmem>>[vector<16xi32>, vector<16xi32>], vector<16xf32>,
      tpu.vector_store_idx %arg10[%broadcast_in_dim3A_109, %add3A_5], %gather3A_110 : memref<512x64xf32, #tpu.memory_space<vmem>>[vector<16xi32>, vector<16xi32>], vector<16xf32>,
      %gather3A_111 = tpu.vector_load_idx %arg7[%add3A_9, %broadcast_in_dim3A_108] : memref<64x128xf32, #tpu.memory_space<vmem>>[vector<16xi32>, vector<16xi32>], vector<16xf32>,
      tpu.vector_store_idx %arg10[%broadcast_in_dim3A_109, %add3A_9], %gather3A_111 : memref<512x64xf32, #tpu.memory_space<vmem>>[vector<16xi32>, vector<16xi32>], vector<16xf32>,
      %gather3A_112 = tpu.vector_load_idx %arg7[%add3A_13, %broadcast_in_dim3A_108] : memref<64x128xf32, #tpu.memory_space<vmem>>[vector<16xi32>, vector<16xi32>], vector<16xf32>,
      tpu.vector_store_idx %arg10[%broadcast_in_dim3A_109, %add3A_13], %gather3A_112 : memref<512x64xf32, #tpu.memory_space<vmem>>[vector<16xi32>, vector<16xi32>], vector<16xf32>,
      %gather3A_113 = tpu.vector_load_idx %arg7[%add3A_17, %broadcast_in_dim3A_108] : memref<64x128xf32, #tpu.memory_space<vmem>>[vector<16xi32>, vector<16xi32>], vector<16xf32>,
      tpu.vector_store_idx %arg10[%broadcast_in_dim3A_109, %add3A_17], %gather3A_113 : memref<512x64xf32, #tpu.memory_space<vmem>>[vector<16xi32>, vector<16xi32>], vector<16xf32>,
      %lt3A_114 = arith.constant 127 : i32
      %lt3A_115 = arith.cmpi slt, %scan3A_69, %lt3A_114 : i32
      %convert_element_type3A_116 = arith.extui %lt3A_115 : i1 to i32
      %cond3A_117 = arith.constant 0 : i32
      %cond3A_118 = arith.cmpi ne, %convert_element_type3A_116, %cond3A_117 : i32
      scf.if %cond3A_118 {
        %add3A_173 = arith.constant 4 : i32
        %add3A_174 = arith.addi %add3A_95, %add3A_173 : i32
        %broadcast_in_dim3A_175 = vector.broadcast %add3A_174 : i32 to vector<16xi32>
        %gather3A_176 = tpu.vector_load_idx %arg5[%broadcast_in_dim3A_175] : memref<512xi32, #tpu.memory_space<vmem>>[vector<16xi32>], vector<16xi32>,
        %slice3A_177 = vector.extract_strided_slice %gather3A_176 {offsets = [0], sizes = [1], strides = [1]} : vector<16xi32> to vector<1xi32>
        %squeeze3A_178 = vector.extract %slice3A_177[0] : i32 from vector<1xi32>
        %shift_right_logical3A_179 = arith.constant 7 : i32
        %shift_right_logical3A_180 = arith.shrui %squeeze3A_178, %shift_right_logical3A_179 : i32
        %mul3A_181 = arith.constant 128 : i32
        %mul3A_182 = arith.muli %shift_right_logical3A_180, %mul3A_181 : i32
        %dma_start3A_183 = arith.constant 0 : i32
        %dma_start3A_184 = tpu.memref_slice %arg3[%dma_start3A_183, %mul3A_182] : memref<64x1000000xf32, #tpu.memory_space<hbm>> -> memref<64x128xf32, #tpu.memory_space<hbm>>
        %dma_start3A_185 = arith.constant 0 : i32
        %dma_start3A_186 = tpu.memref_slice %arg3[%dma_start3A_185, %mul3A_182] : memref<64x1000000xf32, #tpu.memory_space<hbm>> -> memref<64x128xf32, #tpu.memory_space<hbm>>
        tpu.enqueue_dma source(%dma_start3A_186 : memref<64x128xf32, #tpu.memory_space<hbm>>) target(%arg7 : memref<64x128xf32, #tpu.memory_space<vmem>>) target_semaphore(%arg12 : memref<!tpu.dma_semaphore, #tpu.memory_space<semaphore_mem>>)
      } else {
      }
      %mul3A_119 = arith.constant 4 : i32
      %mul3A_120 = arith.muli %scan3A_69, %mul3A_119 : i32
      %add3A_121 = arith.constant 2 : i32
      %add3A_122 = arith.addi %mul3A_120, %add3A_121 : i32
      %dma_wait3A_123 = arith.constant 0 : i32
      %dma_wait3A_124 = arith.constant 0 : i32
      %dma_wait3A_125 = tpu.memref_slice %arg3[%dma_wait3A_123, %dma_wait3A_124] : memref<64x1000000xf32, #tpu.memory_space<hbm>> -> memref<64x128xf32, #tpu.memory_space<hbm>>
      %dma_wait3A_126 = arith.constant 0 : i32
      %dma_wait3A_127 = arith.constant 0 : i32
      %dma_wait3A_128 = tpu.memref_slice %arg3[%dma_wait3A_126, %dma_wait3A_127] : memref<64x1000000xf32, #tpu.memory_space<hbm>> -> memref<64x128xf32, #tpu.memory_space<hbm>>
      tpu.wait_dma2 semaphore(%arg13 : memref<!tpu.dma_semaphore, #tpu.memory_space<semaphore_mem>>) src(%dma_wait3A_128 : memref<64x128xf32, #tpu.memory_space<hbm>>) dst(%arg8 : memref<64x128xf32, #tpu.memory_space<vmem>>)
      %broadcast_in_dim3A_129 = vector.broadcast %add3A_122 : i32 to vector<16xi32>
      %gather3A_130 = tpu.vector_load_idx %arg5[%broadcast_in_dim3A_129] : memref<512xi32, #tpu.memory_space<vmem>>[vector<16xi32>], vector<16xi32>,
      %slice3A_131 = vector.extract_strided_slice %gather3A_130 {offsets = [0], sizes = [1], strides = [1]} : vector<16xi32> to vector<1xi32>
      %squeeze3A_132 = vector.extract %slice3A_131[0] : i32 from vector<1xi32>
      %and3A_133 = arith.constant 127 : i32
      %and3A_134 = arith.andi %squeeze3A_132, %and3A_133 : i32
      %broadcast_in_dim3A_135 = vector.broadcast %and3A_134 : i32 to vector<16xi32>
      %broadcast_in_dim3A_136 = vector.broadcast %add3A_122 : i32 to vector<16xi32>
      %gather3A_137 = tpu.vector_load_idx %arg8[%add3A_5, %broadcast_in_dim3A_135] : memref<64x128xf32, #tpu.memory_space<vmem>>[vector<16xi32>, vector<16xi32>], vector<16xf32>,
      tpu.vector_store_idx %arg10[%broadcast_in_dim3A_136, %add3A_5], %gather3A_137 : memref<512x64xf32, #tpu.memory_space<vmem>>[vector<16xi32>, vector<16xi32>], vector<16xf32>,
      %gather3A_138 = tpu.vector_load_idx %arg8[%add3A_9, %broadcast_in_dim3A_135] : memref<64x128xf32, #tpu.memory_space<vmem>>[vector<16xi32>, vector<16xi32>], vector<16xf32>,
      tpu.vector_store_idx %arg10[%broadcast_in_dim3A_136, %add3A_9], %gather3A_138 : memref<512x64xf32, #tpu.memory_space<vmem>>[vector<16xi32>, vector<16xi32>], vector<16xf32>,
      %gather3A_139 = tpu.vector_load_idx %arg8[%add3A_13, %broadcast_in_dim3A_135] : memref<64x128xf32, #tpu.memory_space<vmem>>[vector<16xi32>, vector<16xi32>], vector<16xf32>,
      tpu.vector_store_idx %arg10[%broadcast_in_dim3A_136, %add3A_13], %gather3A_139 : memref<512x64xf32, #tpu.memory_space<vmem>>[vector<16xi32>, vector<16xi32>], vector<16xf32>,
      %gather3A_140 = tpu.vector_load_idx %arg8[%add3A_17, %broadcast_in_dim3A_135] : memref<64x128xf32, #tpu.memory_space<vmem>>[vector<16xi32>, vector<16xi32>], vector<16xf32>,
      tpu.vector_store_idx %arg10[%broadcast_in_dim3A_136, %add3A_17], %gather3A_140 : memref<512x64xf32, #tpu.memory_space<vmem>>[vector<16xi32>, vector<16xi32>], vector<16xf32>,
      %lt3A_141 = arith.constant 127 : i32
      %lt3A_142 = arith.cmpi slt, %scan3A_69, %lt3A_141 : i32
      %convert_element_type3A_143 = arith.extui %lt3A_142 : i1 to i32
      %cond3A_144 = arith.constant 0 : i32
      %cond3A_145 = arith.cmpi ne, %convert_element_type3A_143, %cond3A_144 : i32
      scf.if %cond3A_145 {
        %add3A_173 = arith.constant 4 : i32
        %add3A_174 = arith.addi %add3A_122, %add3A_173 : i32
        %broadcast_in_dim3A_175 = vector.broadcast %add3A_174 : i32 to vector<16xi32>
        %gather3A_176 = tpu.vector_load_idx %arg5[%broadcast_in_dim3A_175] : memref<512xi32, #tpu.memory_space<vmem>>[vector<16xi32>], vector<16xi32>,
        %slice3A_177 = vector.extract_strided_slice %gather3A_176 {offsets = [0], sizes = [1], strides = [1]} : vector<16xi32> to vector<1xi32>
        %squeeze3A_178 = vector.extract %slice3A_177[0] : i32 from vector<1xi32>
        %shift_right_logical3A_179 = arith.constant 7 : i32
        %shift_right_logical3A_180 = arith.shrui %squeeze3A_178, %shift_right_logical3A_179 : i32
        %mul3A_181 = arith.constant 128 : i32
        %mul3A_182 = arith.muli %shift_right_logical3A_180, %mul3A_181 : i32
        %dma_start3A_183 = arith.constant 0 : i32
        %dma_start3A_184 = tpu.memref_slice %arg3[%dma_start3A_183, %mul3A_182] : memref<64x1000000xf32, #tpu.memory_space<hbm>> -> memref<64x128xf32, #tpu.memory_space<hbm>>
        %dma_start3A_185 = arith.constant 0 : i32
        %dma_start3A_186 = tpu.memref_slice %arg3[%dma_start3A_185, %mul3A_182] : memref<64x1000000xf32, #tpu.memory_space<hbm>> -> memref<64x128xf32, #tpu.memory_space<hbm>>
        tpu.enqueue_dma source(%dma_start3A_186 : memref<64x128xf32, #tpu.memory_space<hbm>>) target(%arg8 : memref<64x128xf32, #tpu.memory_space<vmem>>) target_semaphore(%arg13 : memref<!tpu.dma_semaphore, #tpu.memory_space<semaphore_mem>>)
      } else {
      }
      %mul3A_146 = arith.constant 4 : i32
      %mul3A_147 = arith.muli %scan3A_69, %mul3A_146 : i32
      %add3A_148 = arith.constant 3 : i32
      %add3A_149 = arith.addi %mul3A_147, %add3A_148 : i32
      %dma_wait3A_150 = arith.constant 0 : i32
      %dma_wait3A_151 = arith.constant 0 : i32
      %dma_wait3A_152 = tpu.memref_slice %arg3[%dma_wait3A_150, %dma_wait3A_151] : memref<64x1000000xf32, #tpu.memory_space<hbm>> -> memref<64x128xf32, #tpu.memory_space<hbm>>
      %dma_wait3A_153 = arith.constant 0 : i32
      %dma_wait3A_154 = arith.constant 0 : i32
      %dma_wait3A_155 = tpu.memref_slice %arg3[%dma_wait3A_153, %dma_wait3A_154] : memref<64x1000000xf32, #tpu.memory_space<hbm>> -> memref<64x128xf32, #tpu.memory_space<hbm>>
      tpu.wait_dma2 semaphore(%arg14 : memref<!tpu.dma_semaphore, #tpu.memory_space<semaphore_mem>>) src(%dma_wait3A_155 : memref<64x128xf32, #tpu.memory_space<hbm>>) dst(%arg9 : memref<64x128xf32, #tpu.memory_space<vmem>>)
      %broadcast_in_dim3A_156 = vector.broadcast %add3A_149 : i32 to vector<16xi32>
      %gather3A_157 = tpu.vector_load_idx %arg5[%broadcast_in_dim3A_156] : memref<512xi32, #tpu.memory_space<vmem>>[vector<16xi32>], vector<16xi32>,
      %slice3A_158 = vector.extract_strided_slice %gather3A_157 {offsets = [0], sizes = [1], strides = [1]} : vector<16xi32> to vector<1xi32>
      %squeeze3A_159 = vector.extract %slice3A_158[0] : i32 from vector<1xi32>
      %and3A_160 = arith.constant 127 : i32
      %and3A_161 = arith.andi %squeeze3A_159, %and3A_160 : i32
      %broadcast_in_dim3A_162 = vector.broadcast %and3A_161 : i32 to vector<16xi32>
      %broadcast_in_dim3A_163 = vector.broadcast %add3A_149 : i32 to vector<16xi32>
      %gather3A_164 = tpu.vector_load_idx %arg9[%add3A_5, %broadcast_in_dim3A_162] : memref<64x128xf32, #tpu.memory_space<vmem>>[vector<16xi32>, vector<16xi32>], vector<16xf32>,
      tpu.vector_store_idx %arg10[%broadcast_in_dim3A_163, %add3A_5], %gather3A_164 : memref<512x64xf32, #tpu.memory_space<vmem>>[vector<16xi32>, vector<16xi32>], vector<16xf32>,
      %gather3A_165 = tpu.vector_load_idx %arg9[%add3A_9, %broadcast_in_dim3A_162] : memref<64x128xf32, #tpu.memory_space<vmem>>[vector<16xi32>, vector<16xi32>], vector<16xf32>,
      tpu.vector_store_idx %arg10[%broadcast_in_dim3A_163, %add3A_9], %gather3A_165 : memref<512x64xf32, #tpu.memory_space<vmem>>[vector<16xi32>, vector<16xi32>], vector<16xf32>,
      %gather3A_166 = tpu.vector_load_idx %arg9[%add3A_13, %broadcast_in_dim3A_162] : memref<64x128xf32, #tpu.memory_space<vmem>>[vector<16xi32>, vector<16xi32>], vector<16xf32>,
      tpu.vector_store_idx %arg10[%broadcast_in_dim3A_163, %add3A_13], %gather3A_166 : memref<512x64xf32, #tpu.memory_space<vmem>>[vector<16xi32>, vector<16xi32>], vector<16xf32>,
      %gather3A_167 = tpu.vector_load_idx %arg9[%add3A_17, %broadcast_in_dim3A_162] : memref<64x128xf32, #tpu.memory_space<vmem>>[vector<16xi32>, vector<16xi32>], vector<16xf32>,
      tpu.vector_store_idx %arg10[%broadcast_in_dim3A_163, %add3A_17], %gather3A_167 : memref<512x64xf32, #tpu.memory_space<vmem>>[vector<16xi32>, vector<16xi32>], vector<16xf32>,
      %lt3A_168 = arith.constant 127 : i32
      %lt3A_169 = arith.cmpi slt, %scan3A_69, %lt3A_168 : i32
      %convert_element_type3A_170 = arith.extui %lt3A_169 : i1 to i32
      %cond3A_171 = arith.constant 0 : i32
      %cond3A_172 = arith.cmpi ne, %convert_element_type3A_170, %cond3A_171 : i32
      scf.if %cond3A_172 {
        %add3A_173 = arith.constant 4 : i32
        %add3A_174 = arith.addi %add3A_149, %add3A_173 : i32
        %broadcast_in_dim3A_175 = vector.broadcast %add3A_174 : i32 to vector<16xi32>
        %gather3A_176 = tpu.vector_load_idx %arg5[%broadcast_in_dim3A_175] : memref<512xi32, #tpu.memory_space<vmem>>[vector<16xi32>], vector<16xi32>,
        %slice3A_177 = vector.extract_strided_slice %gather3A_176 {offsets = [0], sizes = [1], strides = [1]} : vector<16xi32> to vector<1xi32>
        %squeeze3A_178 = vector.extract %slice3A_177[0] : i32 from vector<1xi32>
        %shift_right_logical3A_179 = arith.constant 7 : i32
        %shift_right_logical3A_180 = arith.shrui %squeeze3A_178, %shift_right_logical3A_179 : i32
        %mul3A_181 = arith.constant 128 : i32
        %mul3A_182 = arith.muli %shift_right_logical3A_180, %mul3A_181 : i32
        %dma_start3A_183 = arith.constant 0 : i32
        %dma_start3A_184 = tpu.memref_slice %arg3[%dma_start3A_183, %mul3A_182] : memref<64x1000000xf32, #tpu.memory_space<hbm>> -> memref<64x128xf32, #tpu.memory_space<hbm>>
        %dma_start3A_185 = arith.constant 0 : i32
        %dma_start3A_186 = tpu.memref_slice %arg3[%dma_start3A_185, %mul3A_182] : memref<64x1000000xf32, #tpu.memory_space<hbm>> -> memref<64x128xf32, #tpu.memory_space<hbm>>
        tpu.enqueue_dma source(%dma_start3A_186 : memref<64x128xf32, #tpu.memory_space<hbm>>) target(%arg9 : memref<64x128xf32, #tpu.memory_space<vmem>>) target_semaphore(%arg14 : memref<!tpu.dma_semaphore, #tpu.memory_space<semaphore_mem>>)
      } else {
      }
    }
    %scan3A_68 = arith.constant 128 : i32
    "tpu.region"() ({
      %run_scoped3A = tpu.sem_alloc : memref<!tpu.dma_semaphore, #tpu.memory_space<semaphore_mem>>
      %dma_start3A_69 = arith.constant 0 : i32
      %dma_start3A_70 = tpu.memref_slice %arg4[%mul3A_2, %dma_start3A_69] : memref<16384x64xf32, #tpu.memory_space<hbm>> -> memref<512x64xf32, #tpu.memory_space<hbm>>
      %dma_start3A_71 = arith.constant 0 : i32
      %dma_start3A_72 = tpu.memref_slice %arg4[%mul3A_2, %dma_start3A_71] : memref<16384x64xf32, #tpu.memory_space<hbm>> -> memref<512x64xf32, #tpu.memory_space<hbm>>
      tpu.enqueue_dma source(%arg10 : memref<512x64xf32, #tpu.memory_space<vmem>>) target(%dma_start3A_72 : memref<512x64xf32, #tpu.memory_space<hbm>>) target_semaphore(%run_scoped3A : memref<!tpu.dma_semaphore, #tpu.memory_space<semaphore_mem>>)
      %dma_wait3A = arith.constant 0 : i32
      %dma_wait3A_73 = tpu.memref_slice %arg4[%mul3A_2, %dma_wait3A] : memref<16384x64xf32, #tpu.memory_space<hbm>> -> memref<512x64xf32, #tpu.memory_space<hbm>>
      %dma_wait3A_74 = arith.constant 0 : i32
      %dma_wait3A_75 = tpu.memref_slice %arg4[%mul3A_2, %dma_wait3A_74] : memref<16384x64xf32, #tpu.memory_space<hbm>> -> memref<512x64xf32, #tpu.memory_space<hbm>>
      tpu.wait_dma2 semaphore(%run_scoped3A : memref<!tpu.dma_semaphore, #tpu.memory_space<semaphore_mem>>) src(%arg10 : memref<512x64xf32, #tpu.memory_space<vmem>>) dst(%dma_wait3A_75 : memref<512x64xf32, #tpu.memory_space<hbm>>)
      tpu.yield
    }) : () -> ()
    return
  }
}

</mosaic_0001>

<sc_bundles>
// kernel: kernel.3.cloned.1.call-start
scs
__scs_entry_jumppad:
0x0: {  	(pc) =	sbr.rel $0x88, $3  }
0x1: {  	(tag) =	ssettag $0x0;
	lr =	simm.s32 $0x1  }
0x2: {  	[smem:$0x3F9F] =	sst lr;
	_ =	strace $0xD0000000  }
0x3: {  	_ = 	snop  }
0x4: {  	_ = 	snop  }
0x5: {  	_ = 	snop  }
0x6: {  	_ = 	snop  }
0x7: {  	_ = 	snop  }
__scs_overlays_trampoline_lowered:
0x8: {  	[smem:$0x3FAE] =	sst s0  }
0x9: {  	[smem:$0x3FAF] =	sst s1  }
0xa: {  	[smem:$0x3FB0] =	sst s2  }
0xb: {  	[smem:$0x3FB1] =	sst s3  }
0xc: {  	[smem:$0x3FB2] =	sst s4  }
0xd: {  	[smem:$0x3FB3] =	sst s5  }
0xe: {  	[smem:$0x3FB4] =	sst s6  }
0xf: {  	[smem:$0x3FB5] =	sst s7  }
0x10: {  	[smem:$0x3FB6] =	sst s8  }
0x11: {  	[smem:$0x3FB7] =	sst s9;
	s0 =	simm.s32 @!p0 $0x0  }
0x12: {  	s1 =	sld [smem:$0x3F9D];
	s0 =	simm.s32 @p0 $0x1  }
0x13: {  	[smem:$0x3FB8] =	sst s0;
	s0 =	simm.s32 @!p1 $0x0  }
0x14: {  	s2 =	sld [smem:$0x3F9C];
	s0 =	simm.s32 @p1 $0x1  }
0x15: {  	[smem:$0x3FB9] =	sst s0;
	s0 =	simm.s32 @!p2 $0x0  }
0x16: {  	s3 =	sld [smem:$0x3FDB];
	s0 =	simm.s32 @p2 $0x1  }
0x17: {  	s4 =	simm.s32 $0x1BF5;
	[smem:$0x3FBB] =	sst s0  }
0x18: {  	s0 =	sld [smem:$0x3F9E];
	_ =	swait.ge [sflag:s4], $0x0  }
0x19: {  	s7 =	sld [smem:$0x3F9F]  }
0x1a: {  	s8 =	sadd.s32 $0xFFFFE003, lr  }
0x1b: {  	s9 =	sadd.s32 $0xFFFFFEF7, lr;
	s5 =	simm.s32 $0xFFFFFFFF;
	p2 =	slt.u32 s8, $0xFFFFF086  }
0x1c: {  	p1 =	slt.u32 s9, $0xF7A;
	s5 =	simm.s32 @!p2 $0x0  }
0x1d: {  	s5 =	simm.s32 @p1 $0x1;
	p0 =	seq.s32 s7, s2  }
0x1e: {  	s7 =	smul.u32 @!p0 $0xF7A, s2;
	p2 =	seq.s32 @!p0 s5, $0x0  }
0x1f: {  	s9 =	smul.u32 $0xF7A, s1;
	s8 =	simm.s32 @!p0 $0x1BF5;
	p2 =	por !p2, p0  }
0x20: {  	[sflag:s8] =	ssyncset.s32 @!p0 $0xFFFFF086;
	s6 =	sadd.s32 @!p0 s3, s7;
	s7 =	simm.s32 @!p0 $0x108  }
0x21: {  	s3 =	sadd.s32 s3, s9;
	s6 =	sadd.s32 @!p0 $0x88, s6;
	s7 =	simm.s32 @p2 $0x1082  }
0x22: {  	[simem:s7], [sflag:s8] =	dma.local @!p0 [hbm:s6], $0xF7A  }
0x23: {  	s9 =	sor.u32 $0xD0000000, s2;
	s6 =	simm.s32 $0x108;
	_ =	swait.ge @!p0 [sflag:s8], $0x0  }
0x24: {  	s3 =	sadd.s32 $0x88, s3;
	s6 =	simm.s32 @!p1 $0x1082;
	[sflag:s4] =	ssyncset.s32 $0xFFFFF086  }
0x25: {  	[simem:s6], [sflag:s4] =	dma.local [hbm:s3], $0xF7A  }
0x26: {  	[smem:$0x3F9F] =	sst s1;
	(tag) =	ssettag s2;
	_ =	strace s9  }
0x27: {  	s1 =	sld [smem:$0x3FAF]  }
0x28: {  	s2 =	sld [smem:$0x3FB0]  }
0x29: {  	s4 =	sld [smem:$0x3FB2]  }
0x2a: {  	p0 =	seq.s32 s5, $0x0;
	s5 =	sld [smem:$0x3FB3]  }
0x2b: {  	s6 =	sld [smem:$0x3FB4]  }
0x2c: {  	s7 =	sld [smem:$0x3FB5]  }
0x2d: {  	s3 =	simm.s32 $0x108;
	s8 =	sld [smem:$0x3FB6]  }
0x2e: {  	s3 =	simm.s32 @!p0 $0x1082;
	s9 =	sld [smem:$0x3FB7]  }
0x2f: {  	lr =	sadd.s32 s0, s3;
	s0 =	sld [smem:$0x3FAE]  }
0x30: {  	s3 =	sld [smem:$0x3FB1]  }
0x31: {  	[smem:$0x3FBA] =	sst s10  }
0x32: {  	s10 =	sld [smem:$0x3FB8];
	_ =	sdelay $0x3  }
0x33: {  	p0 =	seq.s32 s10, $0x1;
	s10 =	sld [smem:$0x3FBA];
	_ =	sdelay $0x3  }
0x34: {  	[smem:$0x3FBA] =	sst s10  }
0x35: {  	s10 =	sld [smem:$0x3FB9];
	_ =	sdelay $0x3  }
0x36: {  	p1 =	seq.s32 s10, $0x1;
	s10 =	sld [smem:$0x3FBA];
	_ =	sdelay $0x3  }
0x37: {  	[smem:$0x3FBA] =	sst s10  }
0x38: {  	s10 =	sld [smem:$0x3FBB]  }
0x39: {  	_ = 	snop;
	(pc) =	sbr.ind lr, $3  }
0x3a: {  	_ = 	snop  }
0x3b: {  	_ = 	snop  }
0x3c: {  	p2 =	seq.s32 s10, $0x1;
	s10 =	sld [smem:$0x3FBA]  }
0x3d: {  	_ =	shalt  }
0x3e: {  	_ =	shalt  }
0x3f: {  	_ =	shalt  }
0x40: {  	_ =	shalt  }
0x41: {  	_ =	shalt  }
0x42: {  	_ =	shalt  }
0x43: {  	_ =	shalt  }
0x44: {  	_ =	shalt  }
0x45: {  	_ =	shalt  }
0x46: {  	_ =	shalt  }
0x47: {  	_ =	shalt  }
0x48: {  	_ =	shalt  }
0x49: {  	_ =	shalt  }
0x4a: {  	_ =	shalt  }
0x4b: {  	_ =	shalt  }
0x4c: {  	_ =	shalt  }
0x4d: {  	_ =	shalt  }
0x4e: {  	_ =	shalt  }
0x4f: {  	_ =	shalt  }
0x50: {  	_ =	shalt  }
0x51: {  	_ =	shalt  }
0x52: {  	_ =	shalt  }
0x53: {  	_ =	shalt  }
0x54: {  	_ =	shalt  }
0x55: {  	_ =	shalt  }
0x56: {  	_ =	shalt  }
0x57: {  	_ =	shalt  }
0x58: {  	_ =	shalt  }
0x59: {  	_ =	shalt  }
0x5a: {  	_ =	shalt  }
0x5b: {  	_ =	shalt  }
0x5c: {  	_ =	shalt  }
0x5d: {  	_ =	shalt  }
0x5e: {  	_ =	shalt  }
0x5f: {  	_ =	shalt  }
0x60: {  	_ =	shalt  }
0x61: {  	_ =	shalt  }
0x62: {  	_ =	shalt  }
0x63: {  	_ =	shalt  }
0x64: {  	_ =	shalt  }
0x65: {  	_ =	shalt  }
0x66: {  	_ =	shalt  }
0x67: {  	_ =	shalt  }
0x68: {  	_ =	shalt  }
0x69: {  	_ =	shalt  }
0x6a: {  	_ =	shalt  }
0x6b: {  	_ =	shalt  }
0x6c: {  	_ =	shalt  }
0x6d: {  	_ =	shalt  }
0x6e: {  	_ =	shalt  }
0x6f: {  	_ =	shalt  }
0x70: {  	_ =	shalt  }
0x71: {  	_ =	shalt  }
0x72: {  	_ =	shalt  }
0x73: {  	_ =	shalt  }
0x74: {  	_ =	shalt  }
0x75: {  	_ =	shalt  }
0x76: {  	_ =	shalt  }
0x77: {  	_ =	shalt  }
0x78: {  	_ =	shalt  }
0x79: {  	_ =	shalt  }
0x7a: {  	_ =	shalt  }
0x7b: {  	_ =	shalt  }
0x7c: {  	_ =	shalt  }
0x7d: {  	_ =	shalt  }
0x7e: {  	_ =	shalt  }
0x7f: {  	_ =	shalt  }
0x80: {  	_ =	shalt  }
0x81: {  	_ =	shalt  }
0x82: {  	_ =	shalt  }
0x83: {  	_ =	shalt  }
0x84: {  	_ =	shalt  }
0x85: {  	_ =	shalt  }
0x86: {  	_ =	shalt  }
0x87: {  	_ =	shalt  }
.Lfunc_end0:
.L_simem_size_0:
called_computation_lowered:
.L_overlay_start_0:
0x88: {  	s2 =	sld [smem:$0x3FD9]  }
0x89: {  	s3 =	sld [smem:$0x3FFE];
	_ =	sdelay $0x1  }
0x8a: {  	s1 =	srdreg.scid  }
0x8b: {  	s0 =	sand.u32 $0x1, s1  }
0x8c: {  	s17 =	sshll.u32 s0, $0xA;
	s2 =	sadd.s32 s3, s2  }
0x8d: {  	s2 =	sadd.s32 s2, s17  }
0x8e: {  	[smem:$0x3FC6] =	sst s2  }
0x8f: {  	_ = 	snop  }
0x90: {  	s2 =	sld [smem:$0x3FC9]  }
0x91: {  	s18 =	sld [smem:$0x3FC8];
	(tm) =	ssettm $0x1  }
0x92: {  	s4 =	sld [smem:$0x3FFB];
	_ =	sdelay $0x3  }
0x93: {  	_ =	strace s4  }
0x94: {  	s4 =	sld [smem:$0x3FFC];
	_ =	sdelay $0x3  }
0x95: {  	_ =	strace s4  }
0x96: {  	s4 =	sld [smem:$0x3FFD];
	_ =	sdelay $0x3  }
0x97: {  	_ =	strace s4  }
0x98: {  	_ =	strace $0x8FFFFFFF  }
0x99: {  	s19 =	sld [smem:$0x3FDB];
	_ =	sdelay $0x1  }
0x9a: {  	s5 =	simm.s32 $_scs_section_size  }
0x9b: {  	s6 =	simm.s32 $_size__tile_overlayer_lowered;
	s7 =	simm.s32 $_tile_overlayer_lowered  }
0x9c: {  	s22 =	simm.s32 $0x1BFF;
	s21 =	sshll.u32 s7, $0x1;
	s4 =	sadd.s32 s5, s19  }
0x9d: {  	s8 =	simm.s32 $0x0;
	s20 =	sshll.u32 s6, $0x1;
	s6 =	sadd.s32 s21, s4  }
0x9e: {  	[timem:s8], [sflag:s22] =	dma.local [hbm:s6], s20  }
0x9f: {  	_ =	swait.ge [sflag:s22], s20  }
0xa0: {  	s5 =	ssub.s32 $0x0, s20;
	[sflag:s22] =	ssyncset.done $0x0  }
0xa1: {  	[sflag:s22] =	ssyncadd.s32 s5;
	_ =	sdelay $0x1  }
0xa2: {  	s23 =	simm.s32 $0x1B8B  }
0xa3: {  	_ =	swait.ge [sflag:s23], $0x1  }
0xa4: {  	[sflag:s23] =	ssyncset.done $0x0  }
0xa5: {  	s25 =	simm.s32 $0x1B8E;
	s24 =	sld [smem:$0x3FFE];
	[sflag:s23] =	ssyncadd.s32 $0xFFFFFFFF  }
0xa6: {  	s26 =	simm.s32 $execute0_lowered;
	[smem:$0x3FD2] =	sst s25  }
0xa7: {  	s6 =	sshll.u32 s26, $0x1;
	_ =	strace $0x80000046;
	[dreg:$0x1] =	wrdreg $0xFFFFFFFF  }
0xa8: {  	s28 =	simm.s32 $_size_execute0_lowered;
	s4 =	sadd.s32 s4, s6;
	[dreg:$0x0] =	wrdreg $0x0  }
0xa9: {  	s6 =	sshll.u32 s28, $0x1;
	[dreg:$0x2] =	wrdreg s4  }
0xaa: {  	[dreg:$0x3] =	wrdreg s6  }
0xab: {  	[dreg:$0x4] =	wrdreg $0xC0  }
0xac: {  	_ =	task [dreg:s8], $0x5FFFF  }
0xad: {  	[dreg:$0x1] =	wrdreg $0xFFFFFFFF  }
0xae: {  	[dreg:$0x0] =	wrdreg $0x60  }
0xaf: {  	[dreg:$0x2] =	wrdreg s2  }
0xb0: {  	[dreg:$0x3] =	wrdreg s18  }
0xb1: {  	[dreg:$0x4] =	wrdreg s24  }
0xb2: {  	[dreg:$0x5] =	wrdreg $0x9  }
0xb3: {  	_ =	task.clear_ibuf [dreg:s8], $0x6FFFF;
	_ =	strace $0x90000046  }
0xb4: {  	s29 =	simm.s32 $0x9;
	_ =	strace $0x80000048  }
0xb5: {  	_ =	swait.ge [sflag:s29], $0x1  }
0xb6: {  	[sflag:s29] =	ssyncadd.s32 $0xFFFFFFFF  }
0xb7: {  	_ =	strace $0x90000048  }
0xb8: {  	_ =	sfence  }
0xb9: {  	s30 =	sld [smem:$0x0];
	_ =	sdelay $0x2  }
0xba: {  	s31 =	sshll.u32 s1, $0xD;
	s1 =	sshrl.u32 s1, $0x2  }
0xbb: {  	s3 =	sand.u32 $0x4000, s31;
	s1 =	sadd.s32 s1, s30  }
0xbc: {  	s0 =	sor.u32 s3, s0;
	s1 =	sshll.u32 s1, $0x11  }
0xbd: {  	s0 =	sor.u32 s1, s0  }
0xbe: {  	s0 =	sadd.s32 $0x8F2B, s0  }
0xbf: {  	[sflag:s0] =	ssyncadd.remote.s32 $0x1  }
0xc0: {  	_ =	sfence.sel $0xFFFF  }
0xc1: {  	[dreg:$0x0] =	wrdreg $0xFFFFFFFF;
	(pc) =	sbr.abs _section_cstart, $3  }
0xc2: {  	[dreg:$0x1] =	wrdreg $0xFFFFFFFF  }
0xc3: {  	_ =	task.clear_ibuf [dreg:s8], $0x2FFFF;
	_ =	strace $0x9FFFFFFF  }
0xc4: {  	(tm) =	ssettm $0x7FFFFFFF  }
0xc5: {  	_ =	shalt  }
tec
execute0_lowered:
.L_overlay_start_1:
0x0: {  	(tag) =	ssettag $0x1  }
0x1: {  	s4 =	rddreg [dreg:$0x0]  }
0x2: {  	s1 =	rddreg [dreg:$0x1]  }
0x3: {  	s5 =	rddreg [dreg:$0x2]  }
0x4: {  	s0 =	rddreg [dreg:$0x3];
	s6 =	srdreg.scid;
	s3 =	simm.s32 $0x0  }
0x5: {  	s2 =	stileid.u32;
	s10 =	simm.s32 $0x200;
	s11 =	simm.s32 $0x2200  }
0x6: {  	s12 =	simm.s32 $0x4200;
	s13 =	simm.s32 $0x6200;
	s14 =	simm.s32 $0x1  }
0x7: {  	s15 =	simm.s32 $0x8200;
	s16 =	simm.s32 $0x2;
	s17 =	simm.s32 $0x3  }
0x8: {  	s18 =	simm.s32 $0x4;
	s19 =	simm.s32 $0x0;
	s6 =	sand.u32 $0x1, s6  }
0x9: {  	[smem:$0x7FF] =	sst s3;
	s7 =	sshll.u32 s2, $0xA;
	s8 =	sshll.u32 s6, $0x9  }
.Ltmp0:
0xa: {  	s6 =	ssub.s32 $0x2, s6;
	s7 =	sor.u32 s8, s7;
	(pc) =	sbr.rel .LBB2_1-.Ltmp0, $4  }
0xb: {  	v0 =	vlaneseq.u32;
	v2 =	vimm.s32 $0x1;
	_ =	strace $0x80000047;
	s9 =	sshrl.u32 s6, $0x1;
	s8 =	sshll.u32 s7, $0x4  }
0xc: {  	v3 =	vimm.s32 $0x2;
	v4 =	vimm.s32 $0x3;
	v1 =	vmul.u32 $0x80, v0;
	s7 =	sshrl.u32 s7, $0x3;
	s6 =	ssub.s32 s6, s9;
	s9 =	simm.s32 $0x7A1400  }
0xd: {  	v6 =	vor.u32 $0x10, v0;
	v8 =	vor.u32 $0x20, v0;
	v10 =	vor.u32 $0x30, v0;
	s5 =	sadd.s32 s8, s5;
	s4 =	sadd.s32 s4, s7;
	s6 =	smax.u32 s6, $0x1  }
0xe: {  	v5 =	vor.u32 $0x800, v1;
	v7 =	vor.u32 $0x1000, v1;
	v9 =	vor.u32 $0x1800, v1;
	s7 =	simm.s32 $0x5;
	s8 =	simm.s32 $0x400;
	s5 =	sadd.s32 $0x400, s5  }
.LBB2_4:
0xf: {  	s19 =	sadd.s32 $0x1, s19  }
0x10: {  	p0 =	sne.s32 s19, s6  }
.Ltmp1:
0x11: {  	_ = 	snop;
	(pc) =	sbr.rel @!p0 .LBB2_5-.Ltmp1, $4  }
0x12: {  	[hbm4b:s5+s3] =	stream.linear.scatter [tilespmem:s15], [sflag:$0x5], $0x10000, $0x38;
	[tilespmem:$0x18200] =	vst v63  }
0x13: {  	_ =	swait.ge [sflag:s7], $0x10000  }
0x14: {  	[sflag:s7] =	ssyncset.done $0x0  }
0x15: {  	[sflag:s7] =	ssyncadd.s32 $0xFFFF0000  }
.LBB2_1:
0x16: {  	[tilespmem:s3], [sflag:$0x5] =	stream.linear.gather [hbm4b:s4+s3], $0x200, $0x38;
	[tilespmem:$0x18200] =	vst v63  }
0x17: {  	_ =	swait.ge [sflag:s7], $0x200  }
0x18: {  	[sflag:s7] =	ssyncset.done $0x0  }
0x19: {  	[sflag:s7] =	ssyncadd.s32 $0xFFFFFE00  }
0x1a: {  	v11 =	vld.msk [tilespmem:s3+$0x0], $0xffff;
	_ =	sdelay $0x4  }
0x1b: {  	(v2sf) =	vpush v11, $0x0;
	_ =	sdelay $0xe  }
0x1c: {  	s20 =	spop (v2sf)  }
0x1d: {  	s20 =	sand.u32 $0xFFFFF80, s20  }
0x1e: {  	s20 =	sadd.s32 s1, s20  }
0x1f: {  	[tilespmem:s10], [sflag:$0x1] =	stream.strided.gather [hbm4b:s20+s8], $0x2000, s9, s8, $0x38;
	[tilespmem:$0x18200] =	vst v63  }
0x20: {  	v11 =	vld.idx.msk [tilespmem:v2+s3+$0x0], $0xffff;
	_ =	sdelay $0x4  }
0x21: {  	(v2sf) =	vpush v11, $0x0;
	_ =	sdelay $0xe  }
0x22: {  	s29 =	spop (v2sf)  }
0x23: {  	s20 =	sand.u32 $0xFFFFF80, s29  }
0x24: {  	s20 =	sadd.s32 s1, s20  }
0x25: {  	[tilespmem:s11], [sflag:$0x2] =	stream.strided.gather [hbm4b:s20+s8], $0x2000, s9, s8, $0x38;
	[tilespmem:$0x18200] =	vst v63  }
0x26: {  	v11 =	vld.idx.msk [tilespmem:v3+s3+$0x0], $0xffff;
	_ =	sdelay $0x4  }
0x27: {  	(v2sf) =	vpush v11, $0x0;
	_ =	sdelay $0xe  }
0x28: {  	s30 =	spop (v2sf)  }
0x29: {  	s20 =	sand.u32 $0xFFFFF80, s30  }
0x2a: {  	s20 =	sadd.s32 s1, s20  }
0x2b: {  	[tilespmem:s12], [sflag:$0x3] =	stream.strided.gather [hbm4b:s20+s8], $0x2000, s9, s8, $0x38;
	[tilespmem:$0x18200] =	vst v63  }
0x2c: {  	v11 =	vld.idx.msk [tilespmem:v4+s3+$0x0], $0xffff;
	_ =	sdelay $0x4  }
0x2d: {  	(v2sf) =	vpush v11, $0x0;
	_ =	sdelay $0xe  }
0x2e: {  	s31 =	spop (v2sf)  }
0x2f: {  	s20 =	sand.u32 $0xFFFFF80, s31  }
0x30: {  	s20 =	sadd.s32 s1, s20  }
0x31: {  	[tilespmem:s13], [sflag:$0x4] =	stream.strided.gather [hbm4b:s20+s8], $0x2000, s9, s8, $0x38;
	[tilespmem:$0x18200] =	vst v63  }
0x32: {  	s20 =	simm.s32 $0x0  }
.LBB2_2:
0x33: {  	v11 =	vmov s20;
	_ =	sdelay $0x1  }
0x34: {  	_ =	swait.ge [sflag:s14], $0x2000  }
0x35: {  	[sflag:s14] =	ssyncset.done $0x0  }
0x36: {  	[sflag:s14] =	ssyncadd.s32 $0xFFFFE000  }
0x37: {  	v12 =	vld.idx.msk [tilespmem:v11+s3+$0x0], $0xffff;
	_ =	sdelay $0x4  }
0x38: {  	(v2sf) =	vpush v12, $0x0;
	_ =	sdelay $0xe  }
0x39: {  	s21 =	spop (v2sf)  }
0x3a: {  	s21 =	sand.u32 $0x7F, s21  }
0x3b: {  	v35 =	vor.u32 s21, v1;
	_ =	sdelay $0x3  }
0x3c: {  	v11 =	vshll.u32 v11, $0x7  }
0x3d: {  	v13 =	vor.u32 v0, v11;
	v12 =	vld.idx.msk [tilespmem:v35+s10+$0x0], $0xffff  }
0x3e: {  	v14 =	vor.u32 s21, v5;
	_ =	sdelay $0x3  }
0x3f: {  	[tilespmem:v13+s15+$0x0] =	vst.idx.msk $0xffff, v12  }
0x40: {  	v36 =	vor.u32 v6, v11;
	v12 =	vld.idx.msk [tilespmem:v14+s10+$0x0], $0xffff  }
0x41: {  	v37 =	vor.u32 s21, v7;
	_ =	sdelay $0x3  }
0x42: {  	[tilespmem:v36+s15+$0x0] =	vst.idx.msk $0xffff, v12  }
0x43: {  	v38 =	vor.u32 v8, v11;
	v12 =	vld.idx.msk [tilespmem:v37+s10+$0x0], $0xffff  }
0x44: {  	v39 =	vor.u32 s21, v9  }
0x45: {  	p0 =	seq.s32 s20, $0x1FC  }
0x46: {  	s21 =	sadd.s32 @!p0 $0x4, s20  }
0x47: {  	v15 =	vmov @!p0 s21  }
0x48: {  	[tilespmem:v38+s15+$0x0] =	vst.idx.msk $0xffff, v12;
	v12 =	vand.u32 @!p0 $0xFFFFFFFC, v15  }
0x49: {  	v11 =	vor.u32 v10, v11;
	v13 =	vld.idx.msk [tilespmem:v39+s10+$0x0], $0xffff;
	v12 =	vbroadcast @!p0 v12, $0x0;
	_ =	sdelay $0x4  }
0x4a: {  	s22 =	simm.s32 @!p0 $0x0;
	[tilespmem:v11+s15+$0x0] =	vst.idx.msk $0xffff, v13  }
0x4b: {  	v11 =	vld.idx.msk @!p0 [tilespmem:v12+s22+$0x0], $0xffff;
	_ =	sdelay $0x4  }
0x4c: {  	(v2sf) =	vpush @!p0 v11, $0x0;
	_ =	sdelay $0xe  }
0x4d: {  	s21 =	spop @!p0 (v2sf)  }
0x4e: {  	s25 =	sadd.s32 $0x1, s20;
	s23 =	simm.s32 @!p0 $0x7A1400;
	s21 =	sand.u32 @!p0 $0xFFFFF80, s21  }
0x4f: {  	v11 =	vmov s25;
	s25 =	simm.s32 @!p0 $0x200;
	s24 =	sadd.s32 @!p0 s1, s21;
	s21 =	simm.s32 @!p0 $0x400  }
0x50: {  	[tilespmem:s25], [sflag:$0x1] =	stream.strided.gather @!p0 [hbm4b:s24+s21], $0x2000, s23, s21, $0x38;
	[tilespmem:$0x18200] =	vst v63  }
0x51: {  	_ =	swait.ge [sflag:s16], $0x2000  }
0x52: {  	[sflag:s16] =	ssyncset.done $0x0  }
0x53: {  	[sflag:s16] =	ssyncadd.s32 $0xFFFFE000  }
0x54: {  	v40 =	vld.idx.msk [tilespmem:v11+s3+$0x0], $0xffff;
	_ =	sdelay $0x4  }
0x55: {  	(v2sf) =	vpush v40, $0x0;
	_ =	sdelay $0xe  }
0x56: {  	s26 =	spop (v2sf)  }
0x57: {  	s24 =	sand.u32 $0x7F, s26  }
0x58: {  	v41 =	vor.u32 s24, v1;
	_ =	sdelay $0x3  }
0x59: {  	v11 =	vshll.u32 v11, $0x7  }
0x5a: {  	v42 =	vor.u32 v0, v11;
	v12 =	vld.idx.msk [tilespmem:v41+s11+$0x0], $0xffff  }
0x5b: {  	v43 =	vor.u32 s24, v5;
	_ =	sdelay $0x3  }
0x5c: {  	[tilespmem:v42+s15+$0x0] =	vst.idx.msk $0xffff, v12  }
0x5d: {  	v44 =	vor.u32 v6, v11;
	v12 =	vld.idx.msk [tilespmem:v43+s11+$0x0], $0xffff  }
0x5e: {  	v45 =	vor.u32 s24, v7;
	_ =	sdelay $0x3  }
0x5f: {  	[tilespmem:v44+s15+$0x0] =	vst.idx.msk $0xffff, v12  }
0x60: {  	v46 =	vor.u32 v8, v11;
	v12 =	vld.idx.msk [tilespmem:v45+s11+$0x0], $0xffff  }
0x61: {  	v47 =	vor.u32 s24, v9;
	_ =	sdelay $0x1  }
0x62: {  	s24 =	sadd.s32 @!p0 $0x5, s20  }
0x63: {  	v15 =	vmov @!p0 s24  }
0x64: {  	[tilespmem:v46+s15+$0x0] =	vst.idx.msk $0xffff, v12;
	v12 =	vand.u32 @!p0 $0xFFFFFFFD, v15  }
0x65: {  	v11 =	vor.u32 v10, v11;
	v13 =	vld.idx.msk [tilespmem:v47+s11+$0x0], $0xffff;
	v12 =	vbroadcast @!p0 v12, $0x0;
	_ =	sdelay $0x4  }
0x66: {  	[tilespmem:v11+s15+$0x0] =	vst.idx.msk $0xffff, v13  }
0x67: {  	v11 =	vld.idx.msk @!p0 [tilespmem:v12+s22+$0x0], $0xffff;
	_ =	sdelay $0x4  }
0x68: {  	(v2sf) =	vpush @!p0 v11, $0x0;
	_ =	sdelay $0xe  }
0x69: {  	s24 =	spop @!p0 (v2sf)  }
0x6a: {  	s28 =	sadd.s32 $0x2, s20;
	s24 =	sand.u32 @!p0 $0xFFFFF80, s24  }
0x6b: {  	s25 =	simm.s32 @!p0 $0x2200;
	v11 =	vmov s28;
	s24 =	sadd.s32 @!p0 s1, s24  }
0x6c: {  	[tilespmem:s25], [sflag:$0x2] =	stream.strided.gather @!p0 [hbm4b:s24+s21], $0x2000, s23, s21, $0x38;
	[tilespmem:$0x18200] =	vst v63  }
0x6d: {  	_ =	swait.ge [sflag:s17], $0x2000  }
0x6e: {  	[sflag:s17] =	ssyncset.done $0x0  }
0x6f: {  	[sflag:s17] =	ssyncadd.s32 $0xFFFFE000  }
0x70: {  	v48 =	vld.idx.msk [tilespmem:v11+s3+$0x0], $0xffff;
	_ =	sdelay $0x4  }
0x71: {  	(v2sf) =	vpush v48, $0x0;
	_ =	sdelay $0xe  }
0x72: {  	s29 =	spop (v2sf)  }
0x73: {  	s24 =	sand.u32 $0x7F, s29  }
0x74: {  	v49 =	vor.u32 s24, v1;
	_ =	sdelay $0x3  }
0x75: {  	v11 =	vshll.u32 v11, $0x7  }
0x76: {  	v50 =	vor.u32 v0, v11;
	v12 =	vld.idx.msk [tilespmem:v49+s12+$0x0], $0xffff  }
0x77: {  	v51 =	vor.u32 s24, v5;
	_ =	sdelay $0x3  }
0x78: {  	[tilespmem:v50+s15+$0x0] =	vst.idx.msk $0xffff, v12  }
0x79: {  	v52 =	vor.u32 v6, v11;
	v12 =	vld.idx.msk [tilespmem:v51+s12+$0x0], $0xffff  }
0x7a: {  	v53 =	vor.u32 s24, v7;
	_ =	sdelay $0x3  }
0x7b: {  	[tilespmem:v52+s15+$0x0] =	vst.idx.msk $0xffff, v12  }
0x7c: {  	v54 =	vor.u32 v8, v11;
	v12 =	vld.idx.msk [tilespmem:v53+s12+$0x0], $0xffff  }
0x7d: {  	v55 =	vor.u32 s24, v9;
	_ =	sdelay $0x1  }
0x7e: {  	s24 =	sadd.s32 @!p0 $0x6, s20  }
0x7f: {  	v15 =	vmov @!p0 s24  }
0x80: {  	[tilespmem:v54+s15+$0x0] =	vst.idx.msk $0xffff, v12;
	v12 =	vand.u32 @!p0 $0xFFFFFFFE, v15  }
0x81: {  	v11 =	vor.u32 v10, v11;
	v13 =	vld.idx.msk [tilespmem:v55+s12+$0x0], $0xffff;
	v12 =	vbroadcast @!p0 v12, $0x0;
	_ =	sdelay $0x4  }
0x82: {  	[tilespmem:v11+s15+$0x0] =	vst.idx.msk $0xffff, v13  }
0x83: {  	v11 =	vld.idx.msk @!p0 [tilespmem:v12+s22+$0x0], $0xffff;
	_ =	sdelay $0x4  }
0x84: {  	(v2sf) =	vpush @!p0 v11, $0x0;
	_ =	sdelay $0xe  }
0x85: {  	s22 =	spop @!p0 (v2sf)  }
0x86: {  	s30 =	sadd.s32 $0x3, s20;
	s22 =	sand.u32 @!p0 $0xFFFFF80, s22  }
0x87: {  	s25 =	simm.s32 @!p0 $0x4200;
	v11 =	vmov s30;
	s22 =	sadd.s32 @!p0 s1, s22  }
0x88: {  	[tilespmem:s25], [sflag:$0x3] =	stream.strided.gather @!p0 [hbm4b:s22+s21], $0x2000, s23, s21, $0x38;
	[tilespmem:$0x18200] =	vst v63  }
0x89: {  	_ =	swait.ge [sflag:s18], $0x2000  }
0x8a: {  	[sflag:s18] =	ssyncset.done $0x0  }
0x8b: {  	[sflag:s18] =	ssyncadd.s32 $0xFFFFE000  }
0x8c: {  	v56 =	vld.idx.msk [tilespmem:v11+s3+$0x0], $0xffff;
	_ =	sdelay $0x4  }
0x8d: {  	(v2sf) =	vpush v56, $0x0;
	_ =	sdelay $0xe  }
0x8e: {  	s31 =	spop (v2sf)  }
0x8f: {  	s21 =	sand.u32 $0x7F, s31  }
0x90: {  	v57 =	vor.u32 s21, v1;
	_ =	sdelay $0x3  }
0x91: {  	v11 =	vshll.u32 v11, $0x7  }
0x92: {  	v58 =	vor.u32 v0, v11;
	v12 =	vld.idx.msk [tilespmem:v57+s13+$0x0], $0xffff  }
0x93: {  	v59 =	vor.u32 s21, v5;
	_ =	sdelay $0x3  }
0x94: {  	[tilespmem:v58+s15+$0x0] =	vst.idx.msk $0xffff, v12  }
0x95: {  	v60 =	vor.u32 v6, v11;
	v12 =	vld.idx.msk [tilespmem:v59+s13+$0x0], $0xffff  }
0x96: {  	v61 =	vor.u32 s21, v7;
	_ =	sdelay $0x3  }
0x97: {  	[tilespmem:v60+s15+$0x0] =	vst.idx.msk $0xffff, v12  }
0x98: {  	v62 =	vor.u32 v8, v11;
	v12 =	vld.idx.msk [tilespmem:v61+s13+$0x0], $0xffff  }
0x99: {  	v63 =	vor.u32 s21, v9;
	_ =	sdelay $0x3  }
0x9a: {  	[tilespmem:v62+s15+$0x0] =	vst.idx.msk $0xffff, v12  }
0x9b: {  	v11 =	vor.u32 v10, v11;
	v12 =	vld.idx.msk [tilespmem:v63+s13+$0x0], $0xffff  }
.Ltmp2:
0x9c: {  	_ = 	snop;
	(pc) =	sbr.rel @p0 .LBB2_4-.Ltmp2, $2  }
0x9d: {  	_ =	sdelay $0x2  }
0x9e: {  	[tilespmem:v11+s15+$0x0] =	vst.idx.msk $0xffff, v12  }
0x9f: {  	s21 =	sadd.s32 $0x7, s20  }
0xa0: {  	v11 =	vmov s21;
	_ =	sdelay $0x4  }
0xa1: {  	v11 =	vld.idx.msk [tilespmem:v11+s3+$0x0], $0xffff;
	_ =	sdelay $0x4  }
0xa2: {  	(v2sf) =	vpush v11, $0x0;
	_ =	sdelay $0xd  }
.Ltmp3:
0xa3: {  	_ = 	snop;
	(pc) =	sbr.rel .LBB2_2-.Ltmp3, $4  }
0xa4: {  	s31 =	spop (v2sf)  }
0xa5: {  	s21 =	sand.u32 $0xFFFFF80, s31  }
0xa6: {  	s20 =	sadd.s32 $0x4, s20;
	s21 =	sadd.s32 s1, s21  }
0xa7: {  	[tilespmem:s13], [sflag:$0x4] =	stream.strided.gather [hbm4b:s21+s8], $0x2000, s9, s8, $0x38;
	[tilespmem:$0x18200] =	vst v63  }
.LBB2_5:
0xa8: {  	_ =	sfence.sel $0x180000  }
0xa9: {  	[bflag:$0x0] =	sbarrier.arrive $0xFFFF  }
0xaa: {  	p0 =	sne.s32 s2, $0x0;
	_ =	strace $0x90000047  }
0xab: {  	s0 =	sadd.s32 @!p0 $0x100000, s0;
	[bflag:$0x2] =	sbarrier.arrive $0xFFFF  }
0xac: {  	[sflag:s0] =	ssyncadd.tile.s32 @!p0 $0x1;
	_ =	shalt  }
.Lfunc_end2:
_tile_overlayer_lowered:
.L_overlay_start_2:
0xad: {  	(tag) =	ssettag $0x2  }
0xae: {  	s0 =	rddreg [dreg:$0x0];
	s2 =	stileid.u32  }
0xaf: {  	s1 =	rddreg [dreg:$0x1];
	p0 =	sne.s32 s2, $0x0  }
0xb0: {  	s3 =	rddreg [dreg:$0x2];
	[bflag:$0x3] =	sbarrier.arrive $0xFFFF;
	s2 =	simm.s32 @!p0 $0x1C05  }
0xb1: {  	[timem:s3], [sflag:s2] =	dma.local @!p0 [hbm:s0], s1  }
0xb2: {  	s0 =	simm.s32 @!p0 $0x5  }
0xb3: {  	_ =	swait.ge @!p0 [sflag:s0], s1  }
0xb4: {  	s1 =	ssub.s32 @!p0 $0x0, s1;
	[sflag:s0] =	ssyncset.done @!p0 $0x0  }
0xb5: {  	[sflag:s0] =	ssyncadd.s32 @!p0 s1  }
0xb6: {  	[bflag:$0x3] =	sbarrier.arrive $0xFFFF  }
0xb7: {  	_ =	shalt  }

</sc_bundles>
